<compile_context>
chip_gen: v7x
topology: tpu7x:2x2x1
jax: 0.10.2.dev20260603
libtpu: 0.0.44.dev20260713+nightly
codegen_flags: <defaults>
</compile_context>

<pallas_src>
import functools

import jax
import jax.numpy as jnp
from jax import lax
from jax.experimental import pallas as pl
from jax.experimental.pallas import tpu as pltpu
from jax.experimental.pallas import tpu_sc as plsc

_HIDDEN = 1024
_NUM_TOKENS = 8192
_NC, _NS = 2, 16
_NW = _NC * _NS
_BPW = _NUM_TOKENS // _NW
_CH = 32
_NCHUNKS = _BPW // _CH


def _gather_body(ids_hbm, table_hbm, out_hbm, idx_v, rows_v, sem):
    wid = lax.axis_index("s") * _NC + lax.axis_index("c")
    base = wid * _BPW
    row = wid // (2048 // _BPW)
    col = (wid % (2048 // _BPW)) * _BPW
    pltpu.sync_copy(ids_hbm.at[row, pl.ds(col, _BPW)], idx_v)

    def gather(c, b):
        return pltpu.async_copy(
            table_hbm.at[idx_v.at[pl.ds(c * _CH, _CH)]], rows_v.at[b], sem.at[b]
        )

    gather(0, 0)

    def body(c, carry):
        b = lax.rem(c, 2)
        nb = lax.rem(c + 1, 2)

        @pl.when(c + 1 < _NCHUNKS)
        def _():
            gather(c + 1, nb)

        pltpu.make_async_copy(
            table_hbm.at[idx_v.at[pl.ds(0, _CH)]], rows_v.at[b], sem.at[b]
        ).wait()
        pltpu.sync_copy(rows_v.at[b], out_hbm.at[pl.ds(base + c * _CH, _CH)])
        return carry

    lax.fori_loop(0, _NCHUNKS, body, 0, unroll=False)


_sc_gather = functools.partial(
    pl.kernel,
    out_type=jax.ShapeDtypeStruct((_NUM_TOKENS, _HIDDEN), jnp.float32),
    mesh=plsc.VectorSubcoreMesh(core_axis_name="c", subcore_axis_name="s"),
    scratch_types=[
        pltpu.VMEM((_BPW,), jnp.int32),
        pltpu.VMEM((2, _CH, _HIDDEN), jnp.float32),
        pltpu.SemaphoreType.DMA((2,)),
    ],
)(_gather_body)


@jax.jit
def kernel(input_ids, embed_table):
    batch, seq_len = input_ids.shape
    out = _sc_gather(input_ids.astype(jnp.int32), embed_table)
    return out.reshape(batch, seq_len, _HIDDEN)

# --- scband reference (transcript-rebuilt; emitter-appended) ---
"""Pipeline reference for scband-observer-24180665876949 (READ-ONLY COPY).

The authoritative reference and input builder live on the scoring server;
editing this copy changes nothing except your own understanding.
"""

import jax, jax.numpy as jnp
import numpy as np

VOCAB_SIZE = 100000
HIDDEN_SIZE = 1024
BLOCK_SIZE = 4096
BATCH = 4
SEQ_LEN = 2048


def setup_inputs(seed: int = 0) -> dict:
    key = jax.random.key(seed)
    k_ids, k_tab = jax.random.split(key)
    input_ids = jax.random.randint(k_ids, (BATCH, SEQ_LEN), 0, VOCAB_SIZE, dtype=jnp.int64 if jax.config.jax_enable_x64 else jnp.int32)
    # Learned embedding table (the union of the blocked embed weights the
    # original module streams in via _load_block_with_cache).
    embed_table = jax.random.normal(k_tab, (VOCAB_SIZE, HIDDEN_SIZE), dtype=jnp.float32) * 0.02
    return {"input_ids": input_ids, "embed_table": embed_table}


def reference(input_ids, embed_table):
    # Faithful translation of Observer._embed_input: blocked embedding lookup.
    batch_size, seq_len = input_ids.shape
    hidden_states = jnp.zeros((batch_size, seq_len, HIDDEN_SIZE), dtype=embed_table.dtype)
    num_blocks = (VOCAB_SIZE + BLOCK_SIZE - 1) // BLOCK_SIZE
    for i in range(num_blocks):
        start_idx = i * BLOCK_SIZE
        end_idx = min((i + 1) * BLOCK_SIZE, VOCAB_SIZE)
        block = embed_table[start_idx:end_idx]
        mask = (input_ids >= start_idx) & (input_ids < end_idx)
        local_ids = jnp.clip(input_ids - start_idx, 0, block.shape[0] - 1)
        local_embed = jnp.take(block, local_ids, axis=0)
        hidden_states = jnp.where(mask[..., None], local_embed, hidden_states)
    hidden_states = jnp.nan_to_num(hidden_states, nan=0.0)
    return hidden_states

if __name__ == "__main__":
    import jax
    _d = setup_inputs()
    print(jax.jit(kernel)(*tuple(_d.values())))

</pallas_src>

<mosaic_0001>
#map = affine_map<(d0, d1) -> (0, 0)>
module attributes {stable_mosaic.version = 14 : i64} {
  func.func @_gather_body(%arg0: i32, %arg1: i32, %arg2: memref<4x2048xi32, #tpu.memory_space<hbm>>, %arg3: memref<100000x1024xf32, #tpu.memory_space<hbm>>, %arg4: memref<8192x1024xf32, #tpu.memory_space<hbm>>, %arg5: memref<256xi32, #tpu.memory_space<vmem>>, %arg6: memref<2x32x1024xf32, #tpu.memory_space<vmem>>, %arg7: memref<2x!tpu.dma_semaphore, #tpu.memory_space<semaphore_mem>>) attributes {dimension_semantics = [#tpu.dimension_semantics<core_parallel>, #tpu.dimension_semantics<subcore_parallel>], iteration_bounds = array<i64: 2, 16>, scalar_prefetch = 0 : i64, scratch_operands = 3 : i64, tpu.core_type = #tpu.core_type<sc_vector_subcore>, window_params = [{transform_indices = #map}, {transform_indices = #map}, {transform_indices = #map}]} {
    %mul3A = arith.constant 2 : i32
    %mul3A_0 = arith.muli %arg1, %mul3A : i32
    %add3A = arith.addi %mul3A_0, %arg0 : i32
    %mul3A_1 = arith.constant 256 : i32
    %mul3A_2 = arith.muli %add3A, %mul3A_1 : i32
    %jit3A = arith.constant 8 : i32
    %div3A = arith.divsi %add3A, %jit3A : i32
    %sign3A = arith.constant 0 : i32
    %sign3A_3 = arith.cmpi sgt, %add3A, %sign3A : i32
    %sign3A_4 = arith.extui %sign3A_3 : i1 to i32
    %sign3A_5 = arith.constant 0 : i32
    %sign3A_6 = arith.cmpi slt, %add3A, %sign3A_5 : i32
    %sign3A_7 = arith.extui %sign3A_6 : i1 to i32
    %sign3A_8 = arith.subi %sign3A_4, %sign3A_7 : i32
    %sign3A_9 = arith.constant 0 : i32
    %sign3A_10 = arith.cmpi sgt, %jit3A, %sign3A_9 : i32
    %sign3A_11 = arith.extui %sign3A_10 : i1 to i32
    %sign3A_12 = arith.constant 0 : i32
    %sign3A_13 = arith.cmpi slt, %jit3A, %sign3A_12 : i32
    %sign3A_14 = arith.extui %sign3A_13 : i1 to i32
    %sign3A_15 = arith.subi %sign3A_11, %sign3A_14 : i32
    %ne3A = arith.cmpi ne, %sign3A_8, %sign3A_15 : i32
    %rem3A = arith.remsi %add3A, %jit3A : i32
    %ne3A_16 = arith.constant 0 : i32
    %ne3A_17 = arith.cmpi ne, %rem3A, %ne3A_16 : i32
    %and3A = arith.andi %ne3A, %ne3A_17 : i1
    %sub3A = arith.constant 1 : i32
    %sub3A_18 = arith.subi %div3A, %sub3A : i32
    %select_n3A = arith.select %and3A, %sub3A_18, %div3A : i32
    %jit3A_19 = arith.constant 8 : i32
    %eq3A = arith.constant 0 : i32
    %eq3A_20 = arith.cmpi eq, %jit3A_19, %eq3A : i32
    %jit3A_21 = arith.constant 1 : i32
    %select_n3A_22 = arith.select %eq3A_20, %jit3A_21, %jit3A_19 : i32
    %rem3A_23 = arith.remsi %add3A, %select_n3A_22 : i32
    %ne3A_24 = arith.constant 0 : i32
    %ne3A_25 = arith.cmpi ne, %rem3A_23, %ne3A_24 : i32
    %lt3A = arith.constant 0 : i32
    %lt3A_26 = arith.cmpi slt, %rem3A_23, %lt3A : i32
    %lt3A_27 = arith.constant 0 : i32
    %lt3A_28 = arith.cmpi slt, %select_n3A_22, %lt3A_27 : i32
    %ne3A_29 = arith.xori %lt3A_26, %lt3A_28 : i1
    %and3A_30 = arith.andi %ne3A_29, %ne3A_25 : i1
    %add3A_31 = arith.addi %rem3A_23, %select_n3A_22 : i32
    %select_n3A_32 = arith.select %and3A_30, %add3A_31, %rem3A_23 : i32
    %mul3A_33 = arith.constant 256 : i32
    %mul3A_34 = arith.muli %select_n3A_32, %mul3A_33 : i32
    "tpu.region"() ({
      %run_scoped3A = tpu.sem_alloc : memref<!tpu.dma_semaphore, #tpu.memory_space<semaphore_mem>>
      %dma_start3A_52 = tpu.memref_slice %arg2[%select_n3A, %mul3A_34] : memref<4x2048xi32, #tpu.memory_space<hbm>> -> memref<1x256xi32, #tpu.memory_space<hbm>>
      %dma_start3A_53 = tpu.memref_squeeze %dma_start3A_52 : memref<1x256xi32, #tpu.memory_space<hbm>> -> memref<256xi32, #tpu.memory_space<hbm>>
      %dma_start3A_54 = tpu.memref_slice %arg2[%select_n3A, %mul3A_34] : memref<4x2048xi32, #tpu.memory_space<hbm>> -> memref<1x256xi32, #tpu.memory_space<hbm>>
      %dma_start3A_55 = tpu.memref_squeeze %dma_start3A_54 : memref<1x256xi32, #tpu.memory_space<hbm>> -> memref<256xi32, #tpu.memory_space<hbm>>
      tpu.enqueue_dma source(%dma_start3A_55 : memref<256xi32, #tpu.memory_space<hbm>>) target(%arg5 : memref<256xi32, #tpu.memory_space<vmem>>) target_semaphore(%run_scoped3A : memref<!tpu.dma_semaphore, #tpu.memory_space<semaphore_mem>>)
      %dma_wait3A = tpu.memref_slice %arg2[%select_n3A, %mul3A_34] : memref<4x2048xi32, #tpu.memory_space<hbm>> -> memref<1x256xi32, #tpu.memory_space<hbm>>
      %dma_wait3A_56 = tpu.memref_squeeze %dma_wait3A : memref<1x256xi32, #tpu.memory_space<hbm>> -> memref<256xi32, #tpu.memory_space<hbm>>
      %dma_wait3A_57 = tpu.memref_slice %arg2[%select_n3A, %mul3A_34] : memref<4x2048xi32, #tpu.memory_space<hbm>> -> memref<1x256xi32, #tpu.memory_space<hbm>>
      %dma_wait3A_58 = tpu.memref_squeeze %dma_wait3A_57 : memref<1x256xi32, #tpu.memory_space<hbm>> -> memref<256xi32, #tpu.memory_space<hbm>>
      tpu.wait_dma2 semaphore(%run_scoped3A : memref<!tpu.dma_semaphore, #tpu.memory_space<semaphore_mem>>) src(%dma_wait3A_58 : memref<256xi32, #tpu.memory_space<hbm>>) dst(%arg5 : memref<256xi32, #tpu.memory_space<vmem>>)
      tpu.yield
    }) : () -> ()
    %dma_start3A = arith.constant 0 : i32
    %dma_start3A_35 = arith.constant 0 : i32
    %dma_start3A_36 = arith.constant 0 : i32
    %dma_start3A_37 = arith.constant 0 : i32
    %dma_start3A_38 = tpu.memref_slice %arg6[%dma_start3A, %dma_start3A_36, %dma_start3A_37] : memref<2x32x1024xf32, #tpu.memory_space<vmem>> -> memref<1x32x1024xf32, #tpu.memory_space<vmem>>
    %dma_start3A_39 = tpu.memref_squeeze %dma_start3A_38 : memref<1x32x1024xf32, #tpu.memory_space<vmem>> -> memref<32x1024xf32, #tpu.memory_space<vmem>>
    %dma_start3A_40 = arith.constant 0 : i32
    %dma_start3A_41 = tpu.memref_slice %arg5[%dma_start3A_40] : memref<256xi32, #tpu.memory_space<vmem>> -> memref<32xi32, #tpu.memory_space<vmem>>
    %dma_start3A_42 = arith.constant 0 : i32
    %dma_start3A_43 = arith.constant 0 : i32
    %dma_start3A_44 = tpu.memref_slice %arg3[%dma_start3A_42, %dma_start3A_43] : memref<100000x1024xf32, #tpu.memory_space<hbm>> -> memref<100000x1024xf32, #tpu.memory_space<hbm>>
    %dma_start3A_45 = tpu.memref_slice %arg7[%dma_start3A_35] : memref<2x!tpu.dma_semaphore, #tpu.memory_space<semaphore_mem>> -> memref<1x!tpu.dma_semaphore, #tpu.memory_space<semaphore_mem>>
    %dma_start3A_46 = tpu.memref_squeeze %dma_start3A_45 : memref<1x!tpu.dma_semaphore, #tpu.memory_space<semaphore_mem>> -> memref<!tpu.dma_semaphore, #tpu.memory_space<semaphore_mem>>
    tpu.enqueue_indirect_dma source(%dma_start3A_44 : memref<100000x1024xf32, #tpu.memory_space<hbm>>) target(%dma_start3A_39 : memref<32x1024xf32, #tpu.memory_space<vmem>>) offsets(%dma_start3A_41 : memref<32xi32, #tpu.memory_space<vmem>>) semaphore(%dma_start3A_46 : memref<!tpu.dma_semaphore, #tpu.memory_space<semaphore_mem>>)
    %scan3A = arith.constant 0 : i32
    %scan3A_47 = arith.constant 0 : i32
    %scan3A_48 = arith.constant 8 : i32
    %scan3A_49 = arith.addi %scan3A_47, %scan3A_48 : i32
    %scan3A_50 = arith.constant 1 : i32
    scf.for %scan3A_52 = %scan3A_47 to %scan3A_49 step %scan3A_50  : i32 {
      %rem3A_53 = arith.constant 2 : i32
      %rem3A_54 = arith.remsi %scan3A_52, %rem3A_53 : i32
      %add3A_55 = arith.constant 1 : i32
      %add3A_56 = arith.addi %scan3A_52, %add3A_55 : i32
      %rem3A_57 = arith.constant 2 : i32
      %rem3A_58 = arith.remsi %add3A_56, %rem3A_57 : i32
      %add3A_59 = arith.constant 1 : i32
      %add3A_60 = arith.addi %scan3A_52, %add3A_59 : i32
      %lt3A_61 = arith.constant 8 : i32
      %lt3A_62 = arith.cmpi slt, %add3A_60, %lt3A_61 : i32
      %convert_element_type3A = arith.extui %lt3A_62 : i1 to i32
      %cond3A = arith.constant 0 : i32
      %cond3A_63 = arith.cmpi ne, %convert_element_type3A, %cond3A : i32
      scf.if %cond3A_63 {
        %add3A_77 = arith.constant 1 : i32
        %add3A_78 = arith.addi %scan3A_52, %add3A_77 : i32
        %mul3A_79 = arith.constant 32 : i32
        %mul3A_80 = arith.muli %add3A_78, %mul3A_79 : i32
        %dma_start3A_81 = arith.constant 0 : i32
        %dma_start3A_82 = arith.constant 0 : i32
        %dma_start3A_83 = tpu.memref_slice %arg6[%rem3A_58, %dma_start3A_81, %dma_start3A_82] : memref<2x32x1024xf32, #tpu.memory_space<vmem>> -> memref<1x32x1024xf32, #tpu.memory_space<vmem>>
        %dma_start3A_84 = tpu.memref_squeeze %dma_start3A_83 : memref<1x32x1024xf32, #tpu.memory_space<vmem>> -> memref<32x1024xf32, #tpu.memory_space<vmem>>
        %dma_start3A_85 = tpu.memref_slice %arg5[%mul3A_80] : memref<256xi32, #tpu.memory_space<vmem>> -> memref<32xi32, #tpu.memory_space<vmem>>
        %dma_start3A_86 = arith.constant 0 : i32
        %dma_start3A_87 = arith.constant 0 : i32
        %dma_start3A_88 = tpu.memref_slice %arg3[%dma_start3A_86, %dma_start3A_87] : memref<100000x1024xf32, #tpu.memory_space<hbm>> -> memref<100000x1024xf32, #tpu.memory_space<hbm>>
        %dma_start3A_89 = tpu.memref_slice %arg7[%rem3A_58] : memref<2x!tpu.dma_semaphore, #tpu.memory_space<semaphore_mem>> -> memref<1x!tpu.dma_semaphore, #tpu.memory_space<semaphore_mem>>
        %dma_start3A_90 = tpu.memref_squeeze %dma_start3A_89 : memref<1x!tpu.dma_semaphore, #tpu.memory_space<semaphore_mem>> -> memref<!tpu.dma_semaphore, #tpu.memory_space<semaphore_mem>>
        tpu.enqueue_indirect_dma source(%dma_start3A_88 : memref<100000x1024xf32, #tpu.memory_space<hbm>>) target(%dma_start3A_84 : memref<32x1024xf32, #tpu.memory_space<vmem>>) offsets(%dma_start3A_85 : memref<32xi32, #tpu.memory_space<vmem>>) semaphore(%dma_start3A_90 : memref<!tpu.dma_semaphore, #tpu.memory_space<semaphore_mem>>)
      } else {
      }
      %dma_wait3A = arith.constant 0 : i32
      %dma_wait3A_64 = arith.constant 0 : i32
      %dma_wait3A_65 = tpu.memref_slice %arg6[%rem3A_54, %dma_wait3A, %dma_wait3A_64] : memref<2x32x1024xf32, #tpu.memory_space<vmem>> -> memref<1x32x1024xf32, #tpu.memory_space<vmem>>
      %dma_wait3A_66 = tpu.memref_squeeze %dma_wait3A_65 : memref<1x32x1024xf32, #tpu.memory_space<vmem>> -> memref<32x1024xf32, #tpu.memory_space<vmem>>
      %dma_wait3A_67 = arith.constant 0 : i32
      %dma_wait3A_68 = tpu.memref_slice %arg5[%dma_wait3A_67] : memref<256xi32, #tpu.memory_space<vmem>> -> memref<32xi32, #tpu.memory_space<vmem>>
      %dma_wait3A_69 = arith.constant 0 : i32
      %dma_wait3A_70 = arith.constant 0 : i32
      %dma_wait3A_71 = tpu.memref_slice %arg3[%dma_wait3A_69, %dma_wait3A_70] : memref<100000x1024xf32, #tpu.memory_space<hbm>> -> memref<100000x1024xf32, #tpu.memory_space<hbm>>
      %dma_wait3A_72 = tpu.memref_slice %arg7[%rem3A_54] : memref<2x!tpu.dma_semaphore, #tpu.memory_space<semaphore_mem>> -> memref<1x!tpu.dma_semaphore, #tpu.memory_space<semaphore_mem>>
      %dma_wait3A_73 = tpu.memref_squeeze %dma_wait3A_72 : memref<1x!tpu.dma_semaphore, #tpu.memory_space<semaphore_mem>> -> memref<!tpu.dma_semaphore, #tpu.memory_space<semaphore_mem>>
      tpu.wait_indirect_dma semaphore(%dma_wait3A_73 : memref<!tpu.dma_semaphore, #tpu.memory_space<semaphore_mem>>) src(%dma_wait3A_71 : memref<100000x1024xf32, #tpu.memory_space<hbm>>) dst(%dma_wait3A_66 : memref<32x1024xf32, #tpu.memory_space<vmem>>)
      %mul3A_74 = arith.constant 32 : i32
      %mul3A_75 = arith.muli %scan3A_52, %mul3A_74 : i32
      %add3A_76 = arith.addi %mul3A_2, %mul3A_75 : i32
      "tpu.region"() ({
        %run_scoped3A = tpu.sem_alloc : memref<!tpu.dma_semaphore, #tpu.memory_space<semaphore_mem>>
        %dma_start3A_77 = arith.constant 0 : i32
        %dma_start3A_78 = arith.constant 0 : i32
        %dma_start3A_79 = tpu.memref_slice %arg6[%rem3A_54, %dma_start3A_77, %dma_start3A_78] : memref<2x32x1024xf32, #tpu.memory_space<vmem>> -> memref<1x32x1024xf32, #tpu.memory_space<vmem>>
        %dma_start3A_80 = tpu.memref_squeeze %dma_start3A_79 : memref<1x32x1024xf32, #tpu.memory_space<vmem>> -> memref<32x1024xf32, #tpu.memory_space<vmem>>
        %dma_start3A_81 = arith.constant 0 : i32
        %dma_start3A_82 = tpu.memref_slice %arg4[%add3A_76, %dma_start3A_81] : memref<8192x1024xf32, #tpu.memory_space<hbm>> -> memref<32x1024xf32, #tpu.memory_space<hbm>>
        %dma_start3A_83 = arith.constant 0 : i32
        %dma_start3A_84 = tpu.memref_slice %arg4[%add3A_76, %dma_start3A_83] : memref<8192x1024xf32, #tpu.memory_space<hbm>> -> memref<32x1024xf32, #tpu.memory_space<hbm>>
        %dma_start3A_85 = arith.constant 0 : i32
        %dma_start3A_86 = arith.constant 0 : i32
        %dma_start3A_87 = tpu.memref_slice %arg6[%rem3A_54, %dma_start3A_85, %dma_start3A_86] : memref<2x32x1024xf32, #tpu.memory_space<vmem>> -> memref<1x32x1024xf32, #tpu.memory_space<vmem>>
        %dma_start3A_88 = tpu.memref_squeeze %dma_start3A_87 : memref<1x32x1024xf32, #tpu.memory_space<vmem>> -> memref<32x1024xf32, #tpu.memory_space<vmem>>
        tpu.enqueue_dma source(%dma_start3A_88 : memref<32x1024xf32, #tpu.memory_space<vmem>>) target(%dma_start3A_84 : memref<32x1024xf32, #tpu.memory_space<hbm>>) target_semaphore(%run_scoped3A : memref<!tpu.dma_semaphore, #tpu.memory_space<semaphore_mem>>)
        %dma_wait3A_89 = arith.constant 0 : i32
        %dma_wait3A_90 = arith.constant 0 : i32
        %dma_wait3A_91 = tpu.memref_slice %arg6[%rem3A_54, %dma_wait3A_89, %dma_wait3A_90] : memref<2x32x1024xf32, #tpu.memory_space<vmem>> -> memref<1x32x1024xf32, #tpu.memory_space<vmem>>
        %dma_wait3A_92 = tpu.memref_squeeze %dma_wait3A_91 : memref<1x32x1024xf32, #tpu.memory_space<vmem>> -> memref<32x1024xf32, #tpu.memory_space<vmem>>
        %dma_wait3A_93 = arith.constant 0 : i32
        %dma_wait3A_94 = tpu.memref_slice %arg4[%add3A_76, %dma_wait3A_93] : memref<8192x1024xf32, #tpu.memory_space<hbm>> -> memref<32x1024xf32, #tpu.memory_space<hbm>>
        %dma_wait3A_95 = arith.constant 0 : i32
        %dma_wait3A_96 = tpu.memref_slice %arg4[%add3A_76, %dma_wait3A_95] : memref<8192x1024xf32, #tpu.memory_space<hbm>> -> memref<32x1024xf32, #tpu.memory_space<hbm>>
        %dma_wait3A_97 = arith.constant 0 : i32
        %dma_wait3A_98 = arith.constant 0 : i32
        %dma_wait3A_99 = tpu.memref_slice %arg6[%rem3A_54, %dma_wait3A_97, %dma_wait3A_98] : memref<2x32x1024xf32, #tpu.memory_space<vmem>> -> memref<1x32x1024xf32, #tpu.memory_space<vmem>>
        %dma_wait3A_100 = tpu.memref_squeeze %dma_wait3A_99 : memref<1x32x1024xf32, #tpu.memory_space<vmem>> -> memref<32x1024xf32, #tpu.memory_space<vmem>>
        tpu.wait_dma2 semaphore(%run_scoped3A : memref<!tpu.dma_semaphore, #tpu.memory_space<semaphore_mem>>) src(%dma_wait3A_100 : memref<32x1024xf32, #tpu.memory_space<vmem>>) dst(%dma_wait3A_96 : memref<32x1024xf32, #tpu.memory_space<hbm>>)
        tpu.yield
      }) : () -> ()
    }
    %scan3A_51 = arith.constant 8 : i32
    return
  }
}

</mosaic_0001>

<sc_bundles>
// kernel: kernel.3.cloned.1.call-start
scs
__scs_entry_jumppad:
0x0: {  	(pc) =	sbr.rel $0x88, $3  }
0x1: {  	(tag) =	ssettag $0x0;
	lr =	simm.s32 $0x1  }
0x2: {  	[smem:$0x3F9F] =	sst lr;
	_ =	strace $0xD0000000  }
0x3: {  	_ = 	snop  }
0x4: {  	_ = 	snop  }
0x5: {  	_ = 	snop  }
0x6: {  	_ = 	snop  }
0x7: {  	_ = 	snop  }
__scs_overlays_trampoline_lowered:
0x8: {  	[smem:$0x3FAE] =	sst s0  }
0x9: {  	[smem:$0x3FAF] =	sst s1  }
0xa: {  	[smem:$0x3FB0] =	sst s2  }
0xb: {  	[smem:$0x3FB1] =	sst s3  }
0xc: {  	[smem:$0x3FB2] =	sst s4  }
0xd: {  	[smem:$0x3FB3] =	sst s5  }
0xe: {  	[smem:$0x3FB4] =	sst s6  }
0xf: {  	[smem:$0x3FB5] =	sst s7  }
0x10: {  	[smem:$0x3FB6] =	sst s8  }
0x11: {  	[smem:$0x3FB7] =	sst s9;
	s0 =	simm.s32 @!p0 $0x0  }
0x12: {  	s1 =	sld [smem:$0x3F9D];
	s0 =	simm.s32 @p0 $0x1  }
0x13: {  	[smem:$0x3FB8] =	sst s0;
	s0 =	simm.s32 @!p1 $0x0  }
0x14: {  	s2 =	sld [smem:$0x3F9C];
	s0 =	simm.s32 @p1 $0x1  }
0x15: {  	[smem:$0x3FB9] =	sst s0;
	s0 =	simm.s32 @!p2 $0x0  }
0x16: {  	s3 =	sld [smem:$0x3FDB];
	s0 =	simm.s32 @p2 $0x1  }
0x17: {  	s4 =	simm.s32 $0x1BF5;
	[smem:$0x3FBB] =	sst s0  }
0x18: {  	s0 =	sld [smem:$0x3F9E];
	_ =	swait.ge [sflag:s4], $0x0  }
0x19: {  	s7 =	sld [smem:$0x3F9F]  }
0x1a: {  	s8 =	sadd.s32 $0xFFFFE003, lr  }
0x1b: {  	s9 =	sadd.s32 $0xFFFFFEF7, lr;
	s5 =	simm.s32 $0xFFFFFFFF;
	p2 =	slt.u32 s8, $0xFFFFF086  }
0x1c: {  	p1 =	slt.u32 s9, $0xF7A;
	s5 =	simm.s32 @!p2 $0x0  }
0x1d: {  	s5 =	simm.s32 @p1 $0x1;
	p0 =	seq.s32 s7, s2  }
0x1e: {  	s7 =	smul.u32 @!p0 $0xF7A, s2;
	p2 =	seq.s32 @!p0 s5, $0x0  }
0x1f: {  	s9 =	smul.u32 $0xF7A, s1;
	s8 =	simm.s32 @!p0 $0x1BF5;
	p2 =	por !p2, p0  }
0x20: {  	[sflag:s8] =	ssyncset.s32 @!p0 $0xFFFFF086;
	s6 =	sadd.s32 @!p0 s3, s7;
	s7 =	simm.s32 @!p0 $0x108  }
0x21: {  	s3 =	sadd.s32 s3, s9;
	s6 =	sadd.s32 @!p0 $0x88, s6;
	s7 =	simm.s32 @p2 $0x1082  }
0x22: {  	[simem:s7], [sflag:s8] =	dma.local @!p0 [hbm:s6], $0xF7A  }
0x23: {  	s9 =	sor.u32 $0xD0000000, s2;
	s6 =	simm.s32 $0x108;
	_ =	swait.ge @!p0 [sflag:s8], $0x0  }
0x24: {  	s3 =	sadd.s32 $0x88, s3;
	s6 =	simm.s32 @!p1 $0x1082;
	[sflag:s4] =	ssyncset.s32 $0xFFFFF086  }
0x25: {  	[simem:s6], [sflag:s4] =	dma.local [hbm:s3], $0xF7A  }
0x26: {  	[smem:$0x3F9F] =	sst s1;
	(tag) =	ssettag s2;
	_ =	strace s9  }
0x27: {  	s1 =	sld [smem:$0x3FAF]  }
0x28: {  	s2 =	sld [smem:$0x3FB0]  }
0x29: {  	s4 =	sld [smem:$0x3FB2]  }
0x2a: {  	p0 =	seq.s32 s5, $0x0;
	s5 =	sld [smem:$0x3FB3]  }
0x2b: {  	s6 =	sld [smem:$0x3FB4]  }
0x2c: {  	s7 =	sld [smem:$0x3FB5]  }
0x2d: {  	s3 =	simm.s32 $0x108;
	s8 =	sld [smem:$0x3FB6]  }
0x2e: {  	s3 =	simm.s32 @!p0 $0x1082;
	s9 =	sld [smem:$0x3FB7]  }
0x2f: {  	lr =	sadd.s32 s0, s3;
	s0 =	sld [smem:$0x3FAE]  }
0x30: {  	s3 =	sld [smem:$0x3FB1]  }
0x31: {  	[smem:$0x3FBA] =	sst s10  }
0x32: {  	s10 =	sld [smem:$0x3FB8];
	_ =	sdelay $0x3  }
0x33: {  	p0 =	seq.s32 s10, $0x1;
	s10 =	sld [smem:$0x3FBA];
	_ =	sdelay $0x3  }
0x34: {  	[smem:$0x3FBA] =	sst s10  }
0x35: {  	s10 =	sld [smem:$0x3FB9];
	_ =	sdelay $0x3  }
0x36: {  	p1 =	seq.s32 s10, $0x1;
	s10 =	sld [smem:$0x3FBA];
	_ =	sdelay $0x3  }
0x37: {  	[smem:$0x3FBA] =	sst s10  }
0x38: {  	s10 =	sld [smem:$0x3FBB]  }
0x39: {  	_ = 	snop;
	(pc) =	sbr.ind lr, $3  }
0x3a: {  	_ = 	snop  }
0x3b: {  	_ = 	snop  }
0x3c: {  	p2 =	seq.s32 s10, $0x1;
	s10 =	sld [smem:$0x3FBA]  }
0x3d: {  	_ =	shalt  }
0x3e: {  	_ =	shalt  }
0x3f: {  	_ =	shalt  }
0x40: {  	_ =	shalt  }
0x41: {  	_ =	shalt  }
0x42: {  	_ =	shalt  }
0x43: {  	_ =	shalt  }
0x44: {  	_ =	shalt  }
0x45: {  	_ =	shalt  }
0x46: {  	_ =	shalt  }
0x47: {  	_ =	shalt  }
0x48: {  	_ =	shalt  }
0x49: {  	_ =	shalt  }
0x4a: {  	_ =	shalt  }
0x4b: {  	_ =	shalt  }
0x4c: {  	_ =	shalt  }
0x4d: {  	_ =	shalt  }
0x4e: {  	_ =	shalt  }
0x4f: {  	_ =	shalt  }
0x50: {  	_ =	shalt  }
0x51: {  	_ =	shalt  }
0x52: {  	_ =	shalt  }
0x53: {  	_ =	shalt  }
0x54: {  	_ =	shalt  }
0x55: {  	_ =	shalt  }
0x56: {  	_ =	shalt  }
0x57: {  	_ =	shalt  }
0x58: {  	_ =	shalt  }
0x59: {  	_ =	shalt  }
0x5a: {  	_ =	shalt  }
0x5b: {  	_ =	shalt  }
0x5c: {  	_ =	shalt  }
0x5d: {  	_ =	shalt  }
0x5e: {  	_ =	shalt  }
0x5f: {  	_ =	shalt  }
0x60: {  	_ =	shalt  }
0x61: {  	_ =	shalt  }
0x62: {  	_ =	shalt  }
0x63: {  	_ =	shalt  }
0x64: {  	_ =	shalt  }
0x65: {  	_ =	shalt  }
0x66: {  	_ =	shalt  }
0x67: {  	_ =	shalt  }
0x68: {  	_ =	shalt  }
0x69: {  	_ =	shalt  }
0x6a: {  	_ =	shalt  }
0x6b: {  	_ =	shalt  }
0x6c: {  	_ =	shalt  }
0x6d: {  	_ =	shalt  }
0x6e: {  	_ =	shalt  }
0x6f: {  	_ =	shalt  }
0x70: {  	_ =	shalt  }
0x71: {  	_ =	shalt  }
0x72: {  	_ =	shalt  }
0x73: {  	_ =	shalt  }
0x74: {  	_ =	shalt  }
0x75: {  	_ =	shalt  }
0x76: {  	_ =	shalt  }
0x77: {  	_ =	shalt  }
0x78: {  	_ =	shalt  }
0x79: {  	_ =	shalt  }
0x7a: {  	_ =	shalt  }
0x7b: {  	_ =	shalt  }
0x7c: {  	_ =	shalt  }
0x7d: {  	_ =	shalt  }
0x7e: {  	_ =	shalt  }
0x7f: {  	_ =	shalt  }
0x80: {  	_ =	shalt  }
0x81: {  	_ =	shalt  }
0x82: {  	_ =	shalt  }
0x83: {  	_ =	shalt  }
0x84: {  	_ =	shalt  }
0x85: {  	_ =	shalt  }
0x86: {  	_ =	shalt  }
0x87: {  	_ =	shalt  }
.Lfunc_end0:
.L_simem_size_0:
called_computation_lowered:
.L_overlay_start_0:
0x88: {  	s2 =	sld [smem:$0x3FD9]  }
0x89: {  	s3 =	sld [smem:$0x3FFE];
	_ =	sdelay $0x1  }
0x8a: {  	s1 =	srdreg.scid  }
0x8b: {  	s0 =	sand.u32 $0x1, s1  }
0x8c: {  	s18 =	sshll.u32 s0, $0xA;
	s2 =	sadd.s32 s3, s2  }
0x8d: {  	s2 =	sadd.s32 s2, s18  }
0x8e: {  	[smem:$0x3FC6] =	sst s2  }
0x8f: {  	_ = 	snop  }
0x90: {  	s2 =	sld [smem:$0x3FC9]  }
0x91: {  	s19 =	sld [smem:$0x3FC8]  }
0x92: {  	s4 =	sld [smem:$0x3FD0];
	(tm) =	ssettm $0x1  }
0x93: {  	s5 =	sld [smem:$0x3FFB];
	_ =	sdelay $0x3  }
0x94: {  	_ =	strace s5  }
0x95: {  	s5 =	sld [smem:$0x3FFC];
	_ =	sdelay $0x3  }
0x96: {  	_ =	strace s5  }
0x97: {  	s5 =	sld [smem:$0x3FFD];
	_ =	sdelay $0x3  }
0x98: {  	_ =	strace s5  }
0x99: {  	_ =	strace $0x8FFFFFFF  }
0x9a: {  	s20 =	sld [smem:$0x3FDB];
	_ =	sdelay $0x1  }
0x9b: {  	s6 =	simm.s32 $_scs_section_size  }
0x9c: {  	s7 =	simm.s32 $_size__tile_overlayer_lowered;
	s8 =	simm.s32 $_tile_overlayer_lowered  }
0x9d: {  	s23 =	simm.s32 $0x1BFF;
	s22 =	sshll.u32 s8, $0x1;
	s5 =	sadd.s32 s6, s20  }
0x9e: {  	s9 =	simm.s32 $0x0;
	s21 =	sshll.u32 s7, $0x1;
	s7 =	sadd.s32 s22, s5  }
0x9f: {  	[timem:s9], [sflag:s23] =	dma.local [hbm:s7], s21  }
0xa0: {  	_ =	swait.ge [sflag:s23], s21  }
0xa1: {  	s6 =	ssub.s32 $0x0, s21;
	[sflag:s23] =	ssyncset.done $0x0  }
0xa2: {  	[sflag:s23] =	ssyncadd.s32 s6;
	_ =	sdelay $0x1  }
0xa3: {  	s24 =	simm.s32 $0x1B8B  }
0xa4: {  	_ =	swait.ge [sflag:s24], $0x1  }
0xa5: {  	[sflag:s24] =	ssyncset.done $0x0  }
0xa6: {  	s25 =	simm.s32 $0x1B8E;
	[sflag:s24] =	ssyncadd.s32 $0xFFFFFFFF  }
0xa7: {  	s26 =	simm.s32 $execute0_lowered;
	[smem:$0x3FD2] =	sst s25  }
0xa8: {  	s6 =	sshll.u32 s26, $0x1;
	_ =	strace $0x80000046;
	[dreg:$0x1] =	wrdreg $0xFFFFFFFF  }
0xa9: {  	s28 =	simm.s32 $_size_execute0_lowered;
	s5 =	sadd.s32 s5, s6;
	[dreg:$0x0] =	wrdreg $0x0  }
0xaa: {  	s6 =	sshll.u32 s28, $0x1;
	[dreg:$0x2] =	wrdreg s5  }
0xab: {  	[dreg:$0x3] =	wrdreg s6  }
0xac: {  	[dreg:$0x4] =	wrdreg $0xC0  }
0xad: {  	_ =	task [dreg:s9], $0x5FFFF  }
0xae: {  	[dreg:$0x1] =	wrdreg $0xFFFFFFFF  }
0xaf: {  	[dreg:$0x0] =	wrdreg $0x60  }
0xb0: {  	[dreg:$0x2] =	wrdreg s2  }
0xb1: {  	[dreg:$0x3] =	wrdreg s19  }
0xb2: {  	[dreg:$0x4] =	wrdreg s4  }
0xb3: {  	[dreg:$0x5] =	wrdreg $0x9  }
0xb4: {  	_ =	task.clear_ibuf [dreg:s9], $0x6FFFF;
	_ =	strace $0x90000046  }
0xb5: {  	s29 =	simm.s32 $0x9;
	_ =	strace $0x80000048  }
0xb6: {  	_ =	swait.ge [sflag:s29], $0x1  }
0xb7: {  	[sflag:s29] =	ssyncadd.s32 $0xFFFFFFFF  }
0xb8: {  	_ =	strace $0x90000048  }
0xb9: {  	_ =	sfence  }
0xba: {  	s30 =	sld [smem:$0x0];
	_ =	sdelay $0x2  }
0xbb: {  	s31 =	sshll.u32 s1, $0xD;
	s1 =	sshrl.u32 s1, $0x2  }
0xbc: {  	s3 =	sand.u32 $0x4000, s31;
	s1 =	sadd.s32 s1, s30  }
0xbd: {  	s0 =	sor.u32 s3, s0;
	s1 =	sshll.u32 s1, $0x11  }
0xbe: {  	s0 =	sor.u32 s1, s0  }
0xbf: {  	s0 =	sadd.s32 $0x8F2B, s0  }
0xc0: {  	[sflag:s0] =	ssyncadd.remote.s32 $0x1  }
0xc1: {  	_ =	sfence.sel $0xFFFF  }
0xc2: {  	[dreg:$0x0] =	wrdreg $0xFFFFFFFF;
	(pc) =	sbr.abs _section_cstart, $3  }
0xc3: {  	[dreg:$0x1] =	wrdreg $0xFFFFFFFF  }
0xc4: {  	_ =	task.clear_ibuf [dreg:s9], $0x2FFFF;
	_ =	strace $0x9FFFFFFF  }
0xc5: {  	(tm) =	ssettm $0x7FFFFFFF  }
tec
execute0_lowered:
.L_overlay_start_1:
0x0: {  	(tag) =	ssettag $0x1  }
0x1: {  	s0 =	rddreg [dreg:$0x0]  }
0x2: {  	s1 =	rddreg [dreg:$0x1]  }
0x3: {  	s2 =	rddreg [dreg:$0x2];
	s3 =	simm.s32 $0x0  }
0x4: {  	s4 =	srdreg.scid;
	s11 =	stileid.u32;
	s13 =	simm.s32 $0x3  }
0x5: {  	s19 =	simm.s32 $0x2900;
	s20 =	simm.s32 $0x3100;
	s21 =	simm.s32 $0x3900  }
0x6: {  	s28 =	simm.s32 $0x6900;
	s29 =	simm.s32 $0x7100;
	s30 =	simm.s32 $0x7900  }
0x7: {  	s31 =	simm.s32 $0x2;
	[smem:$0x7FF] =	sst s3;
	s9 =	sand.u32 $0x1, s4  }
0x8: {  	s5 =	sshll.u32 s11, $0x1;
	s7 =	sshll.u32 s11, $0x2;
	s25 =	sshll.u32 s11, $0x10  }
0x9: {  	_ =	strace $0x80000047;
	s4 =	ssub.s32 $0x2, s9;
	s5 =	sor.u32 s9, s5  }
0xa: {  	s23 =	sand.u32 $0x30, s7;
	s7 =	sadd.s32 $0x300, s1;
	s26 =	sshll.u32 s9, $0xF  }
0xb: {  	s6 =	sshrl.u32 s4, $0x1;
	s22 =	sshll.u32 s5, $0x7;
	s10 =	sshll.u32 s5, $0xF  }
0xc: {  	s0 =	sadd.s32 s0, s23;
	s5 =	sadd.s32 $0x100, s1;
	s23 =	simm.s32 $0x4900  }
0xd: {  	s8 =	ssub.s32 s4, s6;
	s4 =	sand.u32 $0x380, s22;
	s6 =	sadd.s32 $0x200, s1  }
0xe: {  	s24 =	sadd.s32 s2, s10;
	s2 =	sadd.s32 s25, s2;
	s22 =	simm.s32 $0x4100  }
0xf: {  	v2 =	vlaneseq.u32;
	s25 =	simm.s32 $0x5900;
	s4 =	sadd.s32 s4, s0;
	s8 =	smax.u32 s8, $0x1  }
0x10: {  	vm0 =	vmmov $0xffff;
	v1 =	vshrl.u32 v2, $0x3;
	s9 =	sadd.s32 $0x7000, s24;
	s14 =	sadd.s32 s26, s2;
	s24 =	simm.s32 $0x5100  }
0x11: {  	v0 =	vand.u32 $0x7, v2;
	v2 =	vor.u32 $0x8, v2;
	v1 =	vmul.u32 $0x8, v1;
	s26 =	simm.s32 $0x6100;
	s0 =	simm.s32 $0x8100;
	s2 =	simm.s32 $0x0  }
.LBB2_1:
0x12: {  	s10 =	simm.s32 $0x80;
	s11 =	simm.s32 $0x200  }
0x13: {  	[tilespmem:s3], [sflag:$0x3] =	stream.strided.gather [hbm4b:s4+s10], $0x100, s11, s10, $0x38;
	[tilespmem:$0x10100] =	vst v63  }
0x14: {  	_ =	swait.ge [sflag:s13], $0x100  }
0x15: {  	[sflag:s13] =	ssyncset.done $0x0  }
0x16: {  	[sflag:s13] =	ssyncadd.s32 $0xFFFFFF00  }
0x17: {  	v3 =	vld [tilespmem:$0x0];
	_ =	sdelay $0x4  }
0x18: {  	v4 =	vshll.u32 v3, $0x3  }
0x19: {  	v3 =	vand.u32 $0x7, v3;
	v4 =	vand.u32 $0xFFFFFFC0, v4  }
0x1a: {  	v3 =	vor.u32 v3, v4  }
0x1b: {  	v4 =	vperm.xlane v3, v0;
	_ =	sdelay $0x1  }
0x1c: {  	v4 =	vadd.s32 v1, v4;
	_ =	sdelay $0x3  }
0x1d: {  	s12 =	simm.s32 $0x100  }
0x1e: {  	[tilespmem:s12], [sflag:$0x1] =	stream.indirect_vreg.gather [hbm4b:s1+s3], $0x80, v4, vm0, $0xb8;
	[tilespmem:$0x10100] =	vst v63  }
0x1f: {  	s15 =	simm.s32 $0x900;
	v3 =	vperm.xlane v3, v2  }
0x20: {  	[tilespmem:s15], [sflag:$0x1] =	stream.indirect_vreg.gather [hbm4b:s5+s3], $0x80, v4, vm0, $0xb8;
	[tilespmem:$0x10100] =	vst v63  }
0x21: {  	s16 =	simm.s32 $0x1100;
	v3 =	vadd.s32 v1, v3  }
0x22: {  	[tilespmem:s16], [sflag:$0x1] =	stream.indirect_vreg.gather [hbm4b:s6+s3], $0x80, v4, vm0, $0xb8;
	[tilespmem:$0x10100] =	vst v63  }
0x23: {  	s17 =	simm.s32 $0x1900  }
0x24: {  	[tilespmem:s17], [sflag:$0x1] =	stream.indirect_vreg.gather [hbm4b:s7+s3], $0x80, v4, vm0, $0xb8;
	[tilespmem:$0x10100] =	vst v63  }
0x25: {  	s18 =	simm.s32 $0x2100  }
0x26: {  	[tilespmem:s18], [sflag:$0x1] =	stream.indirect_vreg.gather [hbm4b:s1+s3], $0x80, v3, vm0, $0xb8;
	[tilespmem:$0x10100] =	vst v63  }
0x27: {  	_ = 	snop  }
0x28: {  	[tilespmem:s19], [sflag:$0x1] =	stream.indirect_vreg.gather [hbm4b:s5+s3], $0x80, v3, vm0, $0xb8;
	[tilespmem:$0x10100] =	vst v63  }
0x29: {  	_ = 	snop  }
0x2a: {  	[tilespmem:s20], [sflag:$0x1] =	stream.indirect_vreg.gather [hbm4b:s6+s3], $0x80, v3, vm0, $0xb8;
	[tilespmem:$0x10100] =	vst v63  }
0x2b: {  	_ = 	snop  }
0x2c: {  	[tilespmem:s21], [sflag:$0x1] =	stream.indirect_vreg.gather [hbm4b:s7+s3], $0x80, v3, vm0, $0xb8;
	[tilespmem:$0x10100] =	vst v63  }
0x2d: {  	v3 =	vld [tilespmem:$0x10];
	_ =	sdelay $0x4  }
0x2e: {  	v63 =	vshll.u32 v3, $0x3  }
0x2f: {  	v3 =	vand.u32 $0x7, v3;
	v4 =	vand.u32 $0xFFFFFFC0, v63  }
0x30: {  	v3 =	vor.u32 v3, v4  }
0x31: {  	v4 =	vperm.xlane v3, v0;
	_ =	sdelay $0x1  }
0x32: {  	v4 =	vadd.s32 v1, v4;
	_ =	sdelay $0x4  }
0x33: {  	[tilespmem:s22], [sflag:$0x1] =	stream.indirect_vreg.gather [hbm4b:s1+s3], $0x80, v4, vm0, $0xb8;
	[tilespmem:$0x10100] =	vst v63  }
0x34: {  	v3 =	vperm.xlane v3, v2  }
0x35: {  	[tilespmem:s23], [sflag:$0x1] =	stream.indirect_vreg.gather [hbm4b:s5+s3], $0x80, v4, vm0, $0xb8;
	[tilespmem:$0x10100] =	vst v63  }
0x36: {  	v3 =	vadd.s32 v1, v3  }
0x37: {  	[tilespmem:s24], [sflag:$0x1] =	stream.indirect_vreg.gather [hbm4b:s6+s3], $0x80, v4, vm0, $0xb8;
	[tilespmem:$0x10100] =	vst v63  }
0x38: {  	_ = 	snop  }
0x39: {  	[tilespmem:s25], [sflag:$0x1] =	stream.indirect_vreg.gather [hbm4b:s7+s3], $0x80, v4, vm0, $0xb8;
	[tilespmem:$0x10100] =	vst v63  }
0x3a: {  	_ = 	snop  }
0x3b: {  	[tilespmem:s26], [sflag:$0x1] =	stream.indirect_vreg.gather [hbm4b:s1+s3], $0x80, v3, vm0, $0xb8;
	[tilespmem:$0x10100] =	vst v63  }
0x3c: {  	_ = 	snop  }
0x3d: {  	[tilespmem:s28], [sflag:$0x1] =	stream.indirect_vreg.gather [hbm4b:s5+s3], $0x80, v3, vm0, $0xb8;
	[tilespmem:$0x10100] =	vst v63  }
0x3e: {  	_ = 	snop  }
0x3f: {  	[tilespmem:s29], [sflag:$0x1] =	stream.indirect_vreg.gather [hbm4b:s6+s3], $0x80, v3, vm0, $0xb8;
	[tilespmem:$0x10100] =	vst v63  }
0x40: {  	s11 =	simm.s32 $0x1;
	s10 =	smov.u32 s14;
	s12 =	simm.s32 $0x30  }
0x41: {  	[tilespmem:s30], [sflag:$0x1] =	stream.indirect_vreg.gather [hbm4b:s7+s3], $0x80, v3, vm0, $0xb8;
	[tilespmem:$0x10100] =	vst v63  }
.LBB2_2:
0x42: {  	v3 =	vld [tilespmem:s12+$0xFFFFFFF0];
	_ =	sdelay $0x4  }
0x43: {  	v4 =	vshll.u32 v3, $0x3  }
0x44: {  	v3 =	vand.u32 $0x7, v3;
	v4 =	vand.u32 $0xFFFFFFC0, v4  }
0x45: {  	v3 =	vor.u32 v3, v4  }
0x46: {  	v4 =	vperm.xlane v3, v0;
	_ =	sdelay $0x1  }
0x47: {  	v4 =	vadd.s32 v1, v4;
	_ =	sdelay $0x1  }
0x48: {  	s15 =	sand.u32 $0x1, s11  }
0x49: {  	s16 =	sshll.u32 s15, $0xF  }
0x4a: {  	s15 =	sadd.s32 $0x1, s15;
	s17 =	sor.u32 $0x100, s16  }
0x4b: {  	[tilespmem:s17], [sflag:s15] =	stream.indirect_vreg.gather [hbm4b:s1+s3], $0x80, v4, vm0, $0xb8;
	[tilespmem:$0x10100] =	vst v63  }
0x4c: {  	s18 =	sor.u32 $0x900, s16;
	v3 =	vperm.xlane v3, v2  }
0x4d: {  	[tilespmem:s18], [sflag:s15] =	stream.indirect_vreg.gather [hbm4b:s5+s3], $0x80, v4, vm0, $0xb8;
	[tilespmem:$0x10100] =	vst v63  }
0x4e: {  	v3 =	vadd.s32 v1, v3;
	s18 =	sor.u32 $0x1100, s16  }
0x4f: {  	[tilespmem:s18], [sflag:s15] =	stream.indirect_vreg.gather [hbm4b:s6+s3], $0x80, v4, vm0, $0xb8;
	[tilespmem:$0x10100] =	vst v63  }
0x50: {  	s18 =	sor.u32 $0x1900, s16  }
0x51: {  	[tilespmem:s18], [sflag:s15] =	stream.indirect_vreg.gather [hbm4b:s7+s3], $0x80, v4, vm0, $0xb8;
	[tilespmem:$0x10100] =	vst v63  }
0x52: {  	s18 =	sor.u32 $0x2100, s16  }
0x53: {  	[tilespmem:s18], [sflag:s15] =	stream.indirect_vreg.gather [hbm4b:s1+s3], $0x80, v3, vm0, $0xb8;
	[tilespmem:$0x10100] =	vst v63  }
0x54: {  	s18 =	sor.u32 $0x2900, s16  }
0x55: {  	[tilespmem:s18], [sflag:s15] =	stream.indirect_vreg.gather [hbm4b:s5+s3], $0x80, v3, vm0, $0xb8;
	[tilespmem:$0x10100] =	vst v63  }
0x56: {  	s18 =	sor.u32 $0x3100, s16  }
0x57: {  	[tilespmem:s18], [sflag:s15] =	stream.indirect_vreg.gather [hbm4b:s6+s3], $0x80, v3, vm0, $0xb8;
	[tilespmem:$0x10100] =	vst v63  }
0x58: {  	s18 =	sor.u32 $0x3900, s16  }
0x59: {  	[tilespmem:s18], [sflag:s15] =	stream.indirect_vreg.gather [hbm4b:s7+s3], $0x80, v3, vm0, $0xb8;
	[tilespmem:$0x10100] =	vst v63  }
0x5a: {  	v3 =	vld [tilespmem:s12+$0x0];
	_ =	sdelay $0x4  }
0x5b: {  	v63 =	vshll.u32 v3, $0x3  }
0x5c: {  	v3 =	vand.u32 $0x7, v3;
	v4 =	vand.u32 $0xFFFFFFC0, v63  }
0x5d: {  	v3 =	vor.u32 v3, v4  }
0x5e: {  	v4 =	vperm.xlane v3, v0;
	_ =	sdelay $0x1  }
0x5f: {  	v4 =	vadd.s32 v1, v4;
	_ =	sdelay $0x3  }
0x60: {  	s18 =	sor.u32 $0x4100, s16  }
0x61: {  	[tilespmem:s18], [sflag:s15] =	stream.indirect_vreg.gather [hbm4b:s1+s3], $0x80, v4, vm0, $0xb8;
	[tilespmem:$0x10100] =	vst v63  }
0x62: {  	v3 =	vperm.xlane v3, v2;
	s18 =	sor.u32 $0x4900, s16  }
0x63: {  	[tilespmem:s18], [sflag:s15] =	stream.indirect_vreg.gather [hbm4b:s5+s3], $0x80, v4, vm0, $0xb8;
	[tilespmem:$0x10100] =	vst v63  }
0x64: {  	v3 =	vadd.s32 v1, v3;
	s18 =	sor.u32 $0x5100, s16  }
0x65: {  	[tilespmem:s18], [sflag:s15] =	stream.indirect_vreg.gather [hbm4b:s6+s3], $0x80, v4, vm0, $0xb8;
	[tilespmem:$0x10100] =	vst v63  }
0x66: {  	s18 =	sor.u32 $0x5900, s16  }
0x67: {  	[tilespmem:s18], [sflag:s15] =	stream.indirect_vreg.gather [hbm4b:s7+s3], $0x80, v4, vm0, $0xb8;
	[tilespmem:$0x10100] =	vst v63  }
0x68: {  	s18 =	sor.u32 $0x6100, s16  }
0x69: {  	[tilespmem:s18], [sflag:s15] =	stream.indirect_vreg.gather [hbm4b:s1+s3], $0x80, v3, vm0, $0xb8;
	[tilespmem:$0x10100] =	vst v63  }
0x6a: {  	s18 =	sor.u32 $0x6900, s16  }
0x6b: {  	[tilespmem:s18], [sflag:s15] =	stream.indirect_vreg.gather [hbm4b:s5+s3], $0x80, v3, vm0, $0xb8;
	[tilespmem:$0x10100] =	vst v63  }
0x6c: {  	s17 =	sadd.s32 $0xFFFFFFFF, s11;
	s18 =	sor.u32 $0x7100, s16  }
0x6d: {  	[tilespmem:s18], [sflag:s15] =	stream.indirect_vreg.gather [hbm4b:s6+s3], $0x80, v3, vm0, $0xb8;
	[tilespmem:$0x10100] =	vst v63  }
0x6e: {  	s17 =	sand.u32 $0x1, s17;
	s16 =	sor.u32 $0x7900, s16  }
0x6f: {  	[tilespmem:s16], [sflag:s15] =	stream.indirect_vreg.gather [hbm4b:s7+s3], $0x80, v3, vm0, $0xb8;
	[tilespmem:$0x10100] =	vst v63  }
0x70: {  	s16 =	sadd.s32 $0x1, s17  }
0x71: {  	_ =	swait.ge [sflag:s16], $0x8000  }
0x72: {  	p0 =	sne.s32 s11, $0x7;
	s17 =	sshll.u32 s17, $0xF;
	[sflag:s16] =	ssyncset.done $0x0  }
.Ltmp0:
0x73: {  	s18 =	sor.u32 $0x100, s17;
	[sflag:s16] =	ssyncadd.s32 $0xFFFF8000;
	(pc) =	sbr.rel @p0 .LBB2_2-.Ltmp0, $4  }
0x74: {  	[hbm4b:s10+s3] =	stream.linear.scatter [tilespmem:s18], [sflag:$0x3], $0x8000, $0x38;
	[tilespmem:$0x10100] =	vst v63  }
0x75: {  	_ =	swait.ge [sflag:s13], $0x8000  }
0x76: {  	s11 =	sadd.s32 $0x1, s11;
	[sflag:s13] =	ssyncset.done $0x0  }
0x77: {  	s12 =	sadd.s32 $0x20, s12;
	s10 =	sadd.s32 $0x1000, s10;
	[sflag:s13] =	ssyncadd.s32 $0xFFFF8000  }
0x78: {  	_ =	swait.ge [sflag:s31], $0x8000;
	s2 =	sadd.s32 $0x1, s2  }
0x79: {  	[sflag:s31] =	ssyncset.done $0x0;
	p0 =	sne.s32 s2, s8  }
.Ltmp1:
0x7a: {  	[sflag:s31] =	ssyncadd.s32 $0xFFFF8000;
	(pc) =	sbr.rel @p0 .LBB2_1-.Ltmp1, $4  }
0x7b: {  	[hbm4b:s9+s3] =	stream.linear.scatter [tilespmem:s0], [sflag:$0x3], $0x8000, $0x38;
	[tilespmem:$0x10100] =	vst v63  }
0x7c: {  	_ =	swait.ge [sflag:s13], $0x8000  }
0x7d: {  	[sflag:s13] =	ssyncset.done $0x0  }
0x7e: {  	[sflag:s13] =	ssyncadd.s32 $0xFFFF8000  }
0x7f: {  	_ =	sfence.sel $0x180000  }
0x80: {  	[bflag:$0x0] =	sbarrier.arrive $0xFFFF  }
0x81: {  	_ =	strace $0x90000047  }
0x82: {  	s0 =	stileid.u32;
	[bflag:$0x2] =	sbarrier.arrive $0xFFFF  }
0x83: {  	p0 =	sne.s32 s0, $0x0;
	s0 =	rddreg [dreg:$0x3]  }
0x84: {  	s0 =	sadd.s32 @!p0 $0x100000, s0  }
0x85: {  	[sflag:s0] =	ssyncadd.tile.s32 @!p0 $0x1;
	_ =	shalt  }
.Lfunc_end2:
_tile_overlayer_lowered:
.L_overlay_start_2:
0x86: {  	(tag) =	ssettag $0x2  }
0x87: {  	s0 =	rddreg [dreg:$0x0];
	s2 =	stileid.u32  }
0x88: {  	s1 =	rddreg [dreg:$0x1];
	p0 =	sne.s32 s2, $0x0  }
0x89: {  	s3 =	rddreg [dreg:$0x2];
	[bflag:$0x3] =	sbarrier.arrive $0xFFFF;
	s2 =	simm.s32 @!p0 $0x1C03  }
0x8a: {  	[timem:s3], [sflag:s2] =	dma.local @!p0 [hbm:s0], s1  }
0x8b: {  	s0 =	simm.s32 @!p0 $0x3  }
0x8c: {  	_ =	swait.ge @!p0 [sflag:s0], s1  }
0x8d: {  	s1 =	ssub.s32 @!p0 $0x0, s1;
	[sflag:s0] =	ssyncset.done @!p0 $0x0  }
0x8e: {  	[sflag:s0] =	ssyncadd.s32 @!p0 s1  }
0x8f: {  	[bflag:$0x3] =	sbarrier.arrive $0xFFFF  }
0x90: {  	_ =	shalt  }

</sc_bundles>
